<compile_context>
chip_gen: v7x
topology: tpu7x:2x2x1
jax: 0.10.2.dev20260603
libtpu: 0.0.44.dev20260713+nightly
codegen_flags: <defaults>
</compile_context>

<pallas_src>
import functools

import jax
import jax.numpy as jnp
from jax import lax
from jax.experimental import pallas as pl
from jax.experimental.pallas import tpu as pltpu
from jax.experimental.pallas import tpu_sc as plsc

_N_ROWS, _N_COLS = 4096, 8192
_NC, _NS = 2, 16
_NW = _NC * _NS
_ROWS_W = _N_ROWS // _NW
_BR, _BC = 8, 2048
_CB = _N_COLS // _BC
_N_CHUNKS = (_ROWS_W // _BR) * _CB
_N_ITERS = _N_CHUNKS // 2
_VECS = (_BR * _BC) // 16
_VPR = _BC // 16


def _make_sc_prune():
    mesh = plsc.VectorSubcoreMesh(
        core_axis_name="c", subcore_axis_name="s",
        num_cores=_NC, num_subcores=_NS)

    @functools.partial(
        pl.kernel,
        out_type=jax.ShapeDtypeStruct((_N_ROWS, _N_COLS), jnp.float32),
        mesh=mesh,
        compiler_params=pltpu.CompilerParams(use_tc_tiling_on_sc=True),
        scratch_types=[
            pltpu.VMEM((_BR, _BC), jnp.float32),
            pltpu.VMEM((_BR, _BC), jnp.float32),
            pltpu.VMEM((_BR, _BC), jnp.float32),
            pltpu.VMEM((_BR, _BC), jnp.float32),
            pltpu.VMEM((16,), jnp.int32),
            pltpu.SemaphoreType.DMA,
            pltpu.SemaphoreType.DMA,
            pltpu.SemaphoreType.DMA,
            pltpu.SemaphoreType.DMA,
        ],
    )
    def sc_prune(x_hbm, flag_hbm, out_hbm, in0, in1, out0, out1, flag_v,
                 si0, si1, so0, so1):
        wid = lax.axis_index("s") * _NC + lax.axis_index("c")
        base_row = wid * _ROWS_W

        lanes = lax.iota(jnp.int32, 16)
        o = lanes & 3
        g4 = lanes - o
        p1 = g4 + ((o + 1) & 3)
        p2 = g4 + ((o + 2) & 3)
        p3 = g4 + ((o + 3) & 3)
        md1 = (o + 1) >> 2
        md2 = (o >> 1) & 1
        md3 = (o + 3) >> 2

        pltpu.sync_copy(flag_hbm, flag_v)
        flag = flag_v[...] != 0

        def compute(in_v, out_v):
            @plsc.parallel_loop(0, _VECS, 1, unroll=4)
            def _vec(vi):
                ri = vi >> 7
                s = (vi & (_VPR - 1)) * 16
                v = in_v[ri, pl.ds(s, 16)]
                a = jnp.abs(v)
                abits = lax.bitcast_convert_type(a, jnp.int32)
                q1 = lax.bitcast_convert_type(
                    a.at[p1].get(mode="promise_in_bounds"), jnp.int32)
                q2 = lax.bitcast_convert_type(
                    a.at[p2].get(mode="promise_in_bounds"), jnp.int32)
                q3 = lax.bitcast_convert_type(
                    a.at[p3].get(mode="promise_in_bounds"), jnp.int32)
                l1 = q1 > abits - md1
                l2 = q2 > abits - md2
                l3 = q3 > abits - md3
                drop = ((l1 & l2) | (l3 & (l1 | l2))) & flag
                out_v[ri, pl.ds(s, 16)] = jnp.where(drop, jnp.float32(0), v)

        def in_slice(c):
            r0 = base_row + (c >> 2) * _BR
            c0 = (c & (_CB - 1)) * _BC
            return x_hbm.at[pl.ds(r0, _BR), pl.ds(c0, _BC)]

        def out_slice(c):
            r0 = base_row + (c >> 2) * _BR
            c0 = (c & (_CB - 1)) * _BC
            return out_hbm.at[pl.ds(r0, _BR), pl.ds(c0, _BC)]

        pltpu.async_copy(in_slice(0), in0, si0)
        pltpu.async_copy(in_slice(1), in1, si1)

        def iter_body(it, _):
            c0 = it * 2
            c1 = c0 + 1

            pltpu.make_async_copy(in_slice(c0), in0, si0).wait()

            @pl.when(it > 0)
            def _():
                pltpu.make_async_copy(out0, out_slice(c0), so0).wait()

            compute(in0, out0)
            pltpu.async_copy(out0, out_slice(c0), so0)

            @pl.when(it < _N_ITERS - 1)
            def _():
                pltpu.async_copy(in_slice(c0 + 2), in0, si0)

            pltpu.make_async_copy(in_slice(c1), in1, si1).wait()

            @pl.when(it > 0)
            def _():
                pltpu.make_async_copy(out1, out_slice(c1), so1).wait()

            compute(in1, out1)
            pltpu.async_copy(out1, out_slice(c1), so1)

            @pl.when(it < _N_ITERS - 1)
            def _():
                pltpu.async_copy(in_slice(c1 + 2), in1, si1)

            return ()

        lax.fori_loop(0, _N_ITERS, iter_body, ())
        pltpu.make_async_copy(out0, out_slice(_N_CHUNKS - 2), so0).wait()
        pltpu.make_async_copy(out1, out_slice(_N_CHUNKS - 1), so1).wait()

    return sc_prune


_sc_prune = _make_sc_prune()


def kernel(inputs, update_mask, apply_mask):
    flag = (update_mask != 0) & (apply_mask != 0)
    flag_v = jnp.broadcast_to(jnp.asarray(flag, jnp.int32), (16,))
    return _sc_prune(inputs, flag_v)

# --- scband reference (transcript-rebuilt; emitter-appended) ---
"""Pipeline reference for scband-sparsity-49984829391100 (READ-ONLY COPY).

The authoritative reference and input builder live on the scoring server;
editing this copy changes nothing except your own understanding.
"""

import jax, jax.numpy as jnp
import numpy as np

N_SPARSITY = 2
M_SPARSITY = 4


def get_pruning_n_m_mask(inputs, n, m):
    length = inputs.size
    assert length % m == 0
    group = length // m
    a = jnp.abs(inputs)
    a_blocks = a.reshape(group, m)
    _, top_k_indices = jax.lax.top_k(a_blocks, k=n)
    mask = jnp.any(jax.nn.one_hot(top_k_indices, m, dtype=jnp.bool_), axis=-2)
    return mask.reshape(inputs.shape)


def setup_inputs(seed: int = 0):
    key = jax.random.key(seed)
    inputs = jax.random.normal(key, (4096, 8192), dtype=jnp.float32)
    return {"inputs": inputs, "update_mask": 1, "apply_mask": 1}


def reference(inputs, update_mask, apply_mask):
    # Non-STE path of the Sparsity module with STRUCTURED_NM 2:4 pruning,
    # mask_decay_weight == 0.0.
    pruned_mask = get_pruning_n_m_mask(inputs, N_SPARSITY, M_SPARSITY)
    ones_mask = jnp.ones(inputs.shape, dtype=jnp.bool_)
    mask = jnp.where(update_mask != 0, pruned_mask, ones_mask)
    masked = jnp.where(mask, inputs, jnp.zeros(inputs.shape, inputs.dtype))
    return jnp.where(apply_mask != 0, masked, inputs)

if __name__ == "__main__":
    import jax
    _d = setup_inputs()
    print(jax.jit(kernel)(*tuple(_d.values())))

</pallas_src>

<mosaic_0001>
#map = affine_map<(d0, d1) -> (0, 0)>
#map1 = affine_map<(d0, d1) -> (0)>
module attributes {stable_mosaic.version = 14 : i64} {
  func.func @sc_prune(%arg0: i32, %arg1: i32, %arg2: memref<4096x8192xf32, #tpu.memory_space<hbm>>, %arg3: memref<16xi32, #tpu.memory_space<hbm>>, %arg4: memref<4096x8192xf32, #tpu.memory_space<hbm>>, %arg5: memref<8x2048xf32, #tpu.memory_space<vmem>>, %arg6: memref<8x2048xf32, #tpu.memory_space<vmem>>, %arg7: memref<8x2048xf32, #tpu.memory_space<vmem>>, %arg8: memref<8x2048xf32, #tpu.memory_space<vmem>>, %arg9: memref<16xi32, #tpu.memory_space<vmem>>, %arg10: memref<!tpu.dma_semaphore, #tpu.memory_space<semaphore_mem>>, %arg11: memref<!tpu.dma_semaphore, #tpu.memory_space<semaphore_mem>>, %arg12: memref<!tpu.dma_semaphore, #tpu.memory_space<semaphore_mem>>, %arg13: memref<!tpu.dma_semaphore, #tpu.memory_space<semaphore_mem>>) attributes {dimension_semantics = [#tpu.dimension_semantics<core_parallel>, #tpu.dimension_semantics<subcore_parallel>], iteration_bounds = array<i64: 2, 16>, scalar_prefetch = 0 : i64, scratch_operands = 9 : i64, tpu.core_type = #tpu.core_type<sc_vector_subcore>, window_params = [{transform_indices = #map}, {transform_indices = #map1}, {transform_indices = #map}]} {
    %mul3A = arith.constant 2 : i32
    %mul3A_0 = arith.muli %arg1, %mul3A : i32
    %add3A = arith.addi %mul3A_0, %arg0 : i32
    %mul3A_1 = arith.constant 128 : i32
    %mul3A_2 = arith.muli %add3A, %mul3A_1 : i32
    %iota3A = tpu.iota {dimensions = array<i32: 0>} : vector<16xi32>
    %and3A = arith.constant 3 : i32
    %and3A_3 = vector.broadcast %and3A : i32 to vector<16xi32>
    %and3A_4 = arith.andi %iota3A, %and3A_3 : vector<16xi32>
    %sub3A = arith.subi %iota3A, %and3A_4 : vector<16xi32>
    %add3A_5 = arith.constant 1 : i32
    %add3A_6 = vector.broadcast %add3A_5 : i32 to vector<16xi32>
    %add3A_7 = arith.addi %and3A_4, %add3A_6 : vector<16xi32>
    %and3A_8 = arith.constant 3 : i32
    %and3A_9 = vector.broadcast %and3A_8 : i32 to vector<16xi32>
    %and3A_10 = arith.andi %add3A_7, %and3A_9 : vector<16xi32>
    %add3A_11 = arith.addi %sub3A, %and3A_10 : vector<16xi32>
    %add3A_12 = arith.constant 2 : i32
    %add3A_13 = vector.broadcast %add3A_12 : i32 to vector<16xi32>
    %add3A_14 = arith.addi %and3A_4, %add3A_13 : vector<16xi32>
    %and3A_15 = arith.constant 3 : i32
    %and3A_16 = vector.broadcast %and3A_15 : i32 to vector<16xi32>
    %and3A_17 = arith.andi %add3A_14, %and3A_16 : vector<16xi32>
    %add3A_18 = arith.addi %sub3A, %and3A_17 : vector<16xi32>
    %add3A_19 = arith.constant 3 : i32
    %add3A_20 = vector.broadcast %add3A_19 : i32 to vector<16xi32>
    %add3A_21 = arith.addi %and3A_4, %add3A_20 : vector<16xi32>
    %and3A_22 = arith.constant 3 : i32
    %and3A_23 = vector.broadcast %and3A_22 : i32 to vector<16xi32>
    %and3A_24 = arith.andi %add3A_21, %and3A_23 : vector<16xi32>
    %add3A_25 = arith.addi %sub3A, %and3A_24 : vector<16xi32>
    %add3A_26 = arith.constant 1 : i32
    %add3A_27 = vector.broadcast %add3A_26 : i32 to vector<16xi32>
    %add3A_28 = arith.addi %and3A_4, %add3A_27 : vector<16xi32>
    %shift_right_arithmetic3A = arith.constant 2 : i32
    %shift_right_arithmetic3A_29 = vector.broadcast %shift_right_arithmetic3A : i32 to vector<16xi32>
    %shift_right_arithmetic3A_30 = arith.shrsi %add3A_28, %shift_right_arithmetic3A_29 : vector<16xi32>
    %shift_right_arithmetic3A_31 = arith.constant 1 : i32
    %shift_right_arithmetic3A_32 = vector.broadcast %shift_right_arithmetic3A_31 : i32 to vector<16xi32>
    %shift_right_arithmetic3A_33 = arith.shrsi %and3A_4, %shift_right_arithmetic3A_32 : vector<16xi32>
    %and3A_34 = arith.constant 1 : i32
    %and3A_35 = vector.broadcast %and3A_34 : i32 to vector<16xi32>
    %and3A_36 = arith.andi %shift_right_arithmetic3A_33, %and3A_35 : vector<16xi32>
    %add3A_37 = arith.constant 3 : i32
    %add3A_38 = vector.broadcast %add3A_37 : i32 to vector<16xi32>
    %add3A_39 = arith.addi %and3A_4, %add3A_38 : vector<16xi32>
    %shift_right_arithmetic3A_40 = arith.constant 2 : i32
    %shift_right_arithmetic3A_41 = vector.broadcast %shift_right_arithmetic3A_40 : i32 to vector<16xi32>
    %shift_right_arithmetic3A_42 = arith.shrsi %add3A_39, %shift_right_arithmetic3A_41 : vector<16xi32>
    "tpu.region"() ({
      %run_scoped3A = tpu.sem_alloc : memref<!tpu.dma_semaphore, #tpu.memory_space<semaphore_mem>>
      tpu.enqueue_dma source(%arg3 : memref<16xi32, #tpu.memory_space<hbm>>) target(%arg9 : memref<16xi32, #tpu.memory_space<vmem>>) target_semaphore(%run_scoped3A : memref<!tpu.dma_semaphore, #tpu.memory_space<semaphore_mem>>)
      tpu.wait_dma2 semaphore(%run_scoped3A : memref<!tpu.dma_semaphore, #tpu.memory_space<semaphore_mem>>) src(%arg3 : memref<16xi32, #tpu.memory_space<hbm>>) dst(%arg9 : memref<16xi32, #tpu.memory_space<vmem>>)
      tpu.yield
    }) : () -> ()
    %get3A = arith.constant 0 : index
    %get3A_43 = tpu.vector_load %arg9[%get3A] {strides = array<i32>} : memref<16xi32, #tpu.memory_space<vmem>>, vector<16xi32>,
    %get3A_44 = vector.shape_cast %get3A_43 : vector<16xi32> to vector<16xi32>
    %ne3A = arith.constant 0 : i32
    %ne3A_45 = vector.broadcast %ne3A : i32 to vector<16xi32>
    %ne3A_46 = arith.cmpi ne, %get3A_44, %ne3A_45 : vector<16xi32>
    %add3A_47 = arith.constant 0 : i32
    %add3A_48 = arith.addi %mul3A_2, %add3A_47 : i32
    %dma_start3A = arith.constant 0 : i32
    %dma_start3A_49 = tpu.memref_slice %arg2[%add3A_48, %dma_start3A] : memref<4096x8192xf32, #tpu.memory_space<hbm>> -> memref<8x2048xf32, #tpu.memory_space<hbm>>
    %dma_start3A_50 = arith.constant 0 : i32
    %dma_start3A_51 = tpu.memref_slice %arg2[%add3A_48, %dma_start3A_50] : memref<4096x8192xf32, #tpu.memory_space<hbm>> -> memref<8x2048xf32, #tpu.memory_space<hbm>>
    tpu.enqueue_dma source(%dma_start3A_51 : memref<8x2048xf32, #tpu.memory_space<hbm>>) target(%arg5 : memref<8x2048xf32, #tpu.memory_space<vmem>>) target_semaphore(%arg10 : memref<!tpu.dma_semaphore, #tpu.memory_space<semaphore_mem>>)
    %add3A_52 = arith.constant 0 : i32
    %add3A_53 = arith.addi %mul3A_2, %add3A_52 : i32
    %dma_start3A_54 = arith.constant 2048 : i32
    %dma_start3A_55 = tpu.memref_slice %arg2[%add3A_53, %dma_start3A_54] : memref<4096x8192xf32, #tpu.memory_space<hbm>> -> memref<8x2048xf32, #tpu.memory_space<hbm>>
    %dma_start3A_56 = arith.constant 2048 : i32
    %dma_start3A_57 = tpu.memref_slice %arg2[%add3A_53, %dma_start3A_56] : memref<4096x8192xf32, #tpu.memory_space<hbm>> -> memref<8x2048xf32, #tpu.memory_space<hbm>>
    tpu.enqueue_dma source(%dma_start3A_57 : memref<8x2048xf32, #tpu.memory_space<hbm>>) target(%arg6 : memref<8x2048xf32, #tpu.memory_space<vmem>>) target_semaphore(%arg11 : memref<!tpu.dma_semaphore, #tpu.memory_space<semaphore_mem>>)
    %scan3A = arith.constant 0 : i32
    %scan3A_58 = arith.constant 32 : i32
    %scan3A_59 = arith.addi %scan3A, %scan3A_58 : i32
    %scan3A_60 = arith.constant 1 : i32
    scf.for %scan3A_73 = %scan3A to %scan3A_59 step %scan3A_60  : i32 {
      %mul3A_74 = arith.constant 2 : i32
      %mul3A_75 = arith.muli %scan3A_73, %mul3A_74 : i32
      %add3A_76 = arith.constant 1 : i32
      %add3A_77 = arith.addi %mul3A_75, %add3A_76 : i32
      %shift_right_arithmetic3A_78 = arith.constant 2 : i32
      %shift_right_arithmetic3A_79 = arith.shrsi %mul3A_75, %shift_right_arithmetic3A_78 : i32
      %mul3A_80 = arith.constant 8 : i32
      %mul3A_81 = arith.muli %shift_right_arithmetic3A_79, %mul3A_80 : i32
      %add3A_82 = arith.addi %mul3A_2, %mul3A_81 : i32
      %and3A_83 = arith.constant 3 : i32
      %and3A_84 = arith.andi %mul3A_75, %and3A_83 : i32
      %mul3A_85 = arith.constant 2048 : i32
      %mul3A_86 = arith.muli %and3A_84, %mul3A_85 : i32
      %dma_wait3A_87 = tpu.memref_slice %arg2[%add3A_82, %mul3A_86] : memref<4096x8192xf32, #tpu.memory_space<hbm>> -> memref<8x2048xf32, #tpu.memory_space<hbm>>
      %dma_wait3A_88 = tpu.memref_slice %arg2[%add3A_82, %mul3A_86] : memref<4096x8192xf32, #tpu.memory_space<hbm>> -> memref<8x2048xf32, #tpu.memory_space<hbm>>
      tpu.wait_dma2 semaphore(%arg10 : memref<!tpu.dma_semaphore, #tpu.memory_space<semaphore_mem>>) src(%dma_wait3A_88 : memref<8x2048xf32, #tpu.memory_space<hbm>>) dst(%arg5 : memref<8x2048xf32, #tpu.memory_space<vmem>>)
      %gt3A = arith.constant 0 : i32
      %gt3A_89 = arith.cmpi sgt, %scan3A_73, %gt3A : i32
      %convert_element_type3A = arith.extui %gt3A_89 : i1 to i32
      %cond3A = arith.constant 0 : i32
      %cond3A_90 = arith.cmpi ne, %convert_element_type3A, %cond3A : i32
      scf.if %cond3A_90 {
        %shift_right_arithmetic3A_143 = arith.constant 2 : i32
        %shift_right_arithmetic3A_144 = arith.shrsi %mul3A_75, %shift_right_arithmetic3A_143 : i32
        %mul3A_145 = arith.constant 8 : i32
        %mul3A_146 = arith.muli %shift_right_arithmetic3A_144, %mul3A_145 : i32
        %add3A_147 = arith.addi %mul3A_2, %mul3A_146 : i32
        %and3A_148 = arith.constant 3 : i32
        %and3A_149 = arith.andi %mul3A_75, %and3A_148 : i32
        %mul3A_150 = arith.constant 2048 : i32
        %mul3A_151 = arith.muli %and3A_149, %mul3A_150 : i32
        %dma_wait3A_152 = tpu.memref_slice %arg4[%add3A_147, %mul3A_151] : memref<4096x8192xf32, #tpu.memory_space<hbm>> -> memref<8x2048xf32, #tpu.memory_space<hbm>>
        %dma_wait3A_153 = tpu.memref_slice %arg4[%add3A_147, %mul3A_151] : memref<4096x8192xf32, #tpu.memory_space<hbm>> -> memref<8x2048xf32, #tpu.memory_space<hbm>>
        tpu.wait_dma2 semaphore(%arg12 : memref<!tpu.dma_semaphore, #tpu.memory_space<semaphore_mem>>) src(%arg7 : memref<8x2048xf32, #tpu.memory_space<vmem>>) dst(%dma_wait3A_153 : memref<8x2048xf32, #tpu.memory_space<hbm>>)
      } else {
      }
      %parallel_loop3A = arith.constant 0 : i32
      %parallel_loop3A_91 = arith.constant 1024 : i32
      %parallel_loop3A_92 = arith.constant 1 : i32
      scf.for %parallel_loop3A_143 = %parallel_loop3A to %parallel_loop3A_91 step %parallel_loop3A_92  : i32 {
        %parallel_loop3A_144 = arith.constant 7 : i32
        %parallel_loop3A_145 = arith.shrsi %parallel_loop3A_143, %parallel_loop3A_144 : i32
        %parallel_loop3A_146 = arith.constant 127 : i32
        %parallel_loop3A_147 = arith.andi %parallel_loop3A_143, %parallel_loop3A_146 : i32
        %parallel_loop3A_148 = arith.constant 16 : i32
        %parallel_loop3A_149 = arith.muli %parallel_loop3A_147, %parallel_loop3A_148 : i32
        %parallel_loop3A_150 = arith.index_cast %parallel_loop3A_145 : i32 to index
        %parallel_loop3A_151 = arith.index_cast %parallel_loop3A_149 : i32 to index
        %parallel_loop3A_152 = tpu.vector_load %arg5[%parallel_loop3A_150, %parallel_loop3A_151] {strides = array<i32>} : memref<8x2048xf32, #tpu.memory_space<vmem>>, vector<1x16xf32>,
        %parallel_loop3A_153 = vector.shape_cast %parallel_loop3A_152 : vector<1x16xf32> to vector<16xf32>
        %parallel_loop3A_154 = math.absf %parallel_loop3A_153 : vector<16xf32>
        %parallel_loop3A_155 = tpu.bitcast %parallel_loop3A_154 : vector<16xf32> -> vector<16xi32>
        %parallel_loop3A_156 = arith.constant 0 : i32
        %parallel_loop3A_157 = vector.broadcast %parallel_loop3A_156 : i32 to vector<16xi32>
        %parallel_loop3A_158 = arith.cmpi slt, %add3A_11, %parallel_loop3A_157 : vector<16xi32>
        %parallel_loop3A_159 = arith.constant 16 : i32
        %parallel_loop3A_160 = vector.broadcast %parallel_loop3A_159 : i32 to vector<16xi32>
        %parallel_loop3A_161 = arith.addi %add3A_11, %parallel_loop3A_160 : vector<16xi32>
        %parallel_loop3A_162 = arith.select %parallel_loop3A_158, %parallel_loop3A_161, %add3A_11 : vector<16xi1>, vector<16xi32>
        %parallel_loop3A_163 = vector.shape_cast %parallel_loop3A_162 : vector<16xi32> to vector<16x1xi32>
        %parallel_loop3A_164 = vector.shape_cast %parallel_loop3A_163 : vector<16x1xi32> to vector<16xi32>
        %parallel_loop3A_165 = tpu.dynamic_gather %parallel_loop3A_154[%parallel_loop3A_164] in [0] : vector<16xf32>, vector<16xi32> -> vector<16xf32>
        %parallel_loop3A_166 = tpu.bitcast %parallel_loop3A_165 : vector<16xf32> -> vector<16xi32>
        %parallel_loop3A_167 = arith.constant 0 : i32
        %parallel_loop3A_168 = vector.broadcast %parallel_loop3A_167 : i32 to vector<16xi32>
        %parallel_loop3A_169 = arith.cmpi slt, %add3A_18, %parallel_loop3A_168 : vector<16xi32>
        %parallel_loop3A_170 = arith.constant 16 : i32
        %parallel_loop3A_171 = vector.broadcast %parallel_loop3A_170 : i32 to vector<16xi32>
        %parallel_loop3A_172 = arith.addi %add3A_18, %parallel_loop3A_171 : vector<16xi32>
        %parallel_loop3A_173 = arith.select %parallel_loop3A_169, %parallel_loop3A_172, %add3A_18 : vector<16xi1>, vector<16xi32>
        %parallel_loop3A_174 = vector.shape_cast %parallel_loop3A_173 : vector<16xi32> to vector<16x1xi32>
        %parallel_loop3A_175 = vector.shape_cast %parallel_loop3A_174 : vector<16x1xi32> to vector<16xi32>
        %parallel_loop3A_176 = tpu.dynamic_gather %parallel_loop3A_154[%parallel_loop3A_175] in [0] : vector<16xf32>, vector<16xi32> -> vector<16xf32>
        %parallel_loop3A_177 = tpu.bitcast %parallel_loop3A_176 : vector<16xf32> -> vector<16xi32>
        %parallel_loop3A_178 = arith.constant 0 : i32
        %parallel_loop3A_179 = vector.broadcast %parallel_loop3A_178 : i32 to vector<16xi32>
        %parallel_loop3A_180 = arith.cmpi slt, %add3A_25, %parallel_loop3A_179 : vector<16xi32>
        %parallel_loop3A_181 = arith.constant 16 : i32
        %parallel_loop3A_182 = vector.broadcast %parallel_loop3A_181 : i32 to vector<16xi32>
        %parallel_loop3A_183 = arith.addi %add3A_25, %parallel_loop3A_182 : vector<16xi32>
        %parallel_loop3A_184 = arith.select %parallel_loop3A_180, %parallel_loop3A_183, %add3A_25 : vector<16xi1>, vector<16xi32>
        %parallel_loop3A_185 = vector.shape_cast %parallel_loop3A_184 : vector<16xi32> to vector<16x1xi32>
        %parallel_loop3A_186 = vector.shape_cast %parallel_loop3A_185 : vector<16x1xi32> to vector<16xi32>
        %parallel_loop3A_187 = tpu.dynamic_gather %parallel_loop3A_154[%parallel_loop3A_186] in [0] : vector<16xf32>, vector<16xi32> -> vector<16xf32>
        %parallel_loop3A_188 = tpu.bitcast %parallel_loop3A_187 : vector<16xf32> -> vector<16xi32>
        %parallel_loop3A_189 = arith.subi %parallel_loop3A_155, %shift_right_arithmetic3A_30 : vector<16xi32>
        %parallel_loop3A_190 = arith.cmpi sgt, %parallel_loop3A_166, %parallel_loop3A_189 : vector<16xi32>
        %parallel_loop3A_191 = arith.subi %parallel_loop3A_155, %and3A_36 : vector<16xi32>
        %parallel_loop3A_192 = arith.cmpi sgt, %parallel_loop3A_177, %parallel_loop3A_191 : vector<16xi32>
        %parallel_loop3A_193 = arith.subi %parallel_loop3A_155, %shift_right_arithmetic3A_42 : vector<16xi32>
        %parallel_loop3A_194 = arith.cmpi sgt, %parallel_loop3A_188, %parallel_loop3A_193 : vector<16xi32>
        %parallel_loop3A_195 = arith.andi %parallel_loop3A_190, %parallel_loop3A_192 : vector<16xi1>
        %parallel_loop3A_196 = arith.ori %parallel_loop3A_190, %parallel_loop3A_192 : vector<16xi1>
        %parallel_loop3A_197 = arith.andi %parallel_loop3A_194, %parallel_loop3A_196 : vector<16xi1>
        %parallel_loop3A_198 = arith.ori %parallel_loop3A_195, %parallel_loop3A_197 : vector<16xi1>
        %parallel_loop3A_199 = arith.andi %parallel_loop3A_198, %ne3A_46 : vector<16xi1>
        %parallel_loop3A_200 = arith.constant 0.000000e+00 : f32
        %parallel_loop3A_201 = vector.broadcast %parallel_loop3A_200 : f32 to vector<16xf32>
        %parallel_loop3A_202 = arith.select %parallel_loop3A_199, %parallel_loop3A_201, %parallel_loop3A_153 : vector<16xi1>, vector<16xf32>
        %parallel_loop3A_203 = arith.index_cast %parallel_loop3A_145 : i32 to index
        %parallel_loop3A_204 = arith.index_cast %parallel_loop3A_149 : i32 to index
        %parallel_loop3A_205 = tpu.vector_load %arg7[%parallel_loop3A_203, %parallel_loop3A_204] {strides = array<i32>} : memref<8x2048xf32, #tpu.memory_space<vmem>>, vector<1x16xf32>,
        %parallel_loop3A_206 = vector.shape_cast %parallel_loop3A_205 : vector<1x16xf32> to vector<16xf32>
        %parallel_loop3A_207 = vector.shape_cast %parallel_loop3A_202 : vector<16xf32> to vector<1x16xf32>
        tpu.vector_store %arg7[%parallel_loop3A_203, %parallel_loop3A_204], %parallel_loop3A_207 {strides = array<i32>} : memref<8x2048xf32, #tpu.memory_space<vmem>>, vector<1x16xf32>,
      } {sc.loop_unroll_factor = 4 : i64, sc.parallel_access}
      %shift_right_arithmetic3A_93 = arith.constant 2 : i32
      %shift_right_arithmetic3A_94 = arith.shrsi %mul3A_75, %shift_right_arithmetic3A_93 : i32
      %mul3A_95 = arith.constant 8 : i32
      %mul3A_96 = arith.muli %shift_right_arithmetic3A_94, %mul3A_95 : i32
      %add3A_97 = arith.addi %mul3A_2, %mul3A_96 : i32
      %and3A_98 = arith.constant 3 : i32
      %and3A_99 = arith.andi %mul3A_75, %and3A_98 : i32
      %mul3A_100 = arith.constant 2048 : i32
      %mul3A_101 = arith.muli %and3A_99, %mul3A_100 : i32
      %dma_start3A_102 = tpu.memref_slice %arg4[%add3A_97, %mul3A_101] : memref<4096x8192xf32, #tpu.memory_space<hbm>> -> memref<8x2048xf32, #tpu.memory_space<hbm>>
      %dma_start3A_103 = tpu.memref_slice %arg4[%add3A_97, %mul3A_101] : memref<4096x8192xf32, #tpu.memory_space<hbm>> -> memref<8x2048xf32, #tpu.memory_space<hbm>>
      tpu.enqueue_dma source(%arg7 : memref<8x2048xf32, #tpu.memory_space<vmem>>) target(%dma_start3A_103 : memref<8x2048xf32, #tpu.memory_space<hbm>>) target_semaphore(%arg12 : memref<!tpu.dma_semaphore, #tpu.memory_space<semaphore_mem>>)
      %lt3A = arith.constant 31 : i32
      %lt3A_104 = arith.cmpi slt, %scan3A_73, %lt3A : i32
      %convert_element_type3A_105 = arith.extui %lt3A_104 : i1 to i32
      %cond3A_106 = arith.constant 0 : i32
      %cond3A_107 = arith.cmpi ne, %convert_element_type3A_105, %cond3A_106 : i32
      scf.if %cond3A_107 {
        %add3A_143 = arith.constant 2 : i32
        %add3A_144 = arith.addi %mul3A_75, %add3A_143 : i32
        %shift_right_arithmetic3A_145 = arith.constant 2 : i32
        %shift_right_arithmetic3A_146 = arith.shrsi %add3A_144, %shift_right_arithmetic3A_145 : i32
        %mul3A_147 = arith.constant 8 : i32
        %mul3A_148 = arith.muli %shift_right_arithmetic3A_146, %mul3A_147 : i32
        %add3A_149 = arith.addi %mul3A_2, %mul3A_148 : i32
        %and3A_150 = arith.constant 3 : i32
        %and3A_151 = arith.andi %add3A_144, %and3A_150 : i32
        %mul3A_152 = arith.constant 2048 : i32
        %mul3A_153 = arith.muli %and3A_151, %mul3A_152 : i32
        %dma_start3A_154 = tpu.memref_slice %arg2[%add3A_149, %mul3A_153] : memref<4096x8192xf32, #tpu.memory_space<hbm>> -> memref<8x2048xf32, #tpu.memory_space<hbm>>
        %dma_start3A_155 = tpu.memref_slice %arg2[%add3A_149, %mul3A_153] : memref<4096x8192xf32, #tpu.memory_space<hbm>> -> memref<8x2048xf32, #tpu.memory_space<hbm>>
        tpu.enqueue_dma source(%dma_start3A_155 : memref<8x2048xf32, #tpu.memory_space<hbm>>) target(%arg5 : memref<8x2048xf32, #tpu.memory_space<vmem>>) target_semaphore(%arg10 : memref<!tpu.dma_semaphore, #tpu.memory_space<semaphore_mem>>)
      } else {
      }
      %shift_right_arithmetic3A_108 = arith.constant 2 : i32
      %shift_right_arithmetic3A_109 = arith.shrsi %add3A_77, %shift_right_arithmetic3A_108 : i32
      %mul3A_110 = arith.constant 8 : i32
      %mul3A_111 = arith.muli %shift_right_arithmetic3A_109, %mul3A_110 : i32
      %add3A_112 = arith.addi %mul3A_2, %mul3A_111 : i32
      %and3A_113 = arith.constant 3 : i32
      %and3A_114 = arith.andi %add3A_77, %and3A_113 : i32
      %mul3A_115 = arith.constant 2048 : i32
      %mul3A_116 = arith.muli %and3A_114, %mul3A_115 : i32
      %dma_wait3A_117 = tpu.memref_slice %arg2[%add3A_112, %mul3A_116] : memref<4096x8192xf32, #tpu.memory_space<hbm>> -> memref<8x2048xf32, #tpu.memory_space<hbm>>
      %dma_wait3A_118 = tpu.memref_slice %arg2[%add3A_112, %mul3A_116] : memref<4096x8192xf32, #tpu.memory_space<hbm>> -> memref<8x2048xf32, #tpu.memory_space<hbm>>
      tpu.wait_dma2 semaphore(%arg11 : memref<!tpu.dma_semaphore, #tpu.memory_space<semaphore_mem>>) src(%dma_wait3A_118 : memref<8x2048xf32, #tpu.memory_space<hbm>>) dst(%arg6 : memref<8x2048xf32, #tpu.memory_space<vmem>>)
      %gt3A_119 = arith.constant 0 : i32
      %gt3A_120 = arith.cmpi sgt, %scan3A_73, %gt3A_119 : i32
      %convert_element_type3A_121 = arith.extui %gt3A_120 : i1 to i32
      %cond3A_122 = arith.constant 0 : i32
      %cond3A_123 = arith.cmpi ne, %convert_element_type3A_121, %cond3A_122 : i32
      scf.if %cond3A_123 {
        %shift_right_arithmetic3A_143 = arith.constant 2 : i32
        %shift_right_arithmetic3A_144 = arith.shrsi %add3A_77, %shift_right_arithmetic3A_143 : i32
        %mul3A_145 = arith.constant 8 : i32
        %mul3A_146 = arith.muli %shift_right_arithmetic3A_144, %mul3A_145 : i32
        %add3A_147 = arith.addi %mul3A_2, %mul3A_146 : i32
        %and3A_148 = arith.constant 3 : i32
        %and3A_149 = arith.andi %add3A_77, %and3A_148 : i32
        %mul3A_150 = arith.constant 2048 : i32
        %mul3A_151 = arith.muli %and3A_149, %mul3A_150 : i32
        %dma_wait3A_152 = tpu.memref_slice %arg4[%add3A_147, %mul3A_151] : memref<4096x8192xf32, #tpu.memory_space<hbm>> -> memref<8x2048xf32, #tpu.memory_space<hbm>>
        %dma_wait3A_153 = tpu.memref_slice %arg4[%add3A_147, %mul3A_151] : memref<4096x8192xf32, #tpu.memory_space<hbm>> -> memref<8x2048xf32, #tpu.memory_space<hbm>>
        tpu.wait_dma2 semaphore(%arg13 : memref<!tpu.dma_semaphore, #tpu.memory_space<semaphore_mem>>) src(%arg8 : memref<8x2048xf32, #tpu.memory_space<vmem>>) dst(%dma_wait3A_153 : memref<8x2048xf32, #tpu.memory_space<hbm>>)
      } else {
      }
      %parallel_loop3A_124 = arith.constant 0 : i32
      %parallel_loop3A_125 = arith.constant 1024 : i32
      %parallel_loop3A_126 = arith.constant 1 : i32
      scf.for %parallel_loop3A_143 = %parallel_loop3A_124 to %parallel_loop3A_125 step %parallel_loop3A_126  : i32 {
        %parallel_loop3A_144 = arith.constant 7 : i32
        %parallel_loop3A_145 = arith.shrsi %parallel_loop3A_143, %parallel_loop3A_144 : i32
        %parallel_loop3A_146 = arith.constant 127 : i32
        %parallel_loop3A_147 = arith.andi %parallel_loop3A_143, %parallel_loop3A_146 : i32
        %parallel_loop3A_148 = arith.constant 16 : i32
        %parallel_loop3A_149 = arith.muli %parallel_loop3A_147, %parallel_loop3A_148 : i32
        %parallel_loop3A_150 = arith.index_cast %parallel_loop3A_145 : i32 to index
        %parallel_loop3A_151 = arith.index_cast %parallel_loop3A_149 : i32 to index
        %parallel_loop3A_152 = tpu.vector_load %arg6[%parallel_loop3A_150, %parallel_loop3A_151] {strides = array<i32>} : memref<8x2048xf32, #tpu.memory_space<vmem>>, vector<1x16xf32>,
        %parallel_loop3A_153 = vector.shape_cast %parallel_loop3A_152 : vector<1x16xf32> to vector<16xf32>
        %parallel_loop3A_154 = math.absf %parallel_loop3A_153 : vector<16xf32>
        %parallel_loop3A_155 = tpu.bitcast %parallel_loop3A_154 : vector<16xf32> -> vector<16xi32>
        %parallel_loop3A_156 = arith.constant 0 : i32
        %parallel_loop3A_157 = vector.broadcast %parallel_loop3A_156 : i32 to vector<16xi32>
        %parallel_loop3A_158 = arith.cmpi slt, %add3A_11, %parallel_loop3A_157 : vector<16xi32>
        %parallel_loop3A_159 = arith.constant 16 : i32
        %parallel_loop3A_160 = vector.broadcast %parallel_loop3A_159 : i32 to vector<16xi32>
        %parallel_loop3A_161 = arith.addi %add3A_11, %parallel_loop3A_160 : vector<16xi32>
        %parallel_loop3A_162 = arith.select %parallel_loop3A_158, %parallel_loop3A_161, %add3A_11 : vector<16xi1>, vector<16xi32>
        %parallel_loop3A_163 = vector.shape_cast %parallel_loop3A_162 : vector<16xi32> to vector<16x1xi32>
        %parallel_loop3A_164 = vector.shape_cast %parallel_loop3A_163 : vector<16x1xi32> to vector<16xi32>
        %parallel_loop3A_165 = tpu.dynamic_gather %parallel_loop3A_154[%parallel_loop3A_164] in [0] : vector<16xf32>, vector<16xi32> -> vector<16xf32>
        %parallel_loop3A_166 = tpu.bitcast %parallel_loop3A_165 : vector<16xf32> -> vector<16xi32>
        %parallel_loop3A_167 = arith.constant 0 : i32
        %parallel_loop3A_168 = vector.broadcast %parallel_loop3A_167 : i32 to vector<16xi32>
        %parallel_loop3A_169 = arith.cmpi slt, %add3A_18, %parallel_loop3A_168 : vector<16xi32>
        %parallel_loop3A_170 = arith.constant 16 : i32
        %parallel_loop3A_171 = vector.broadcast %parallel_loop3A_170 : i32 to vector<16xi32>
        %parallel_loop3A_172 = arith.addi %add3A_18, %parallel_loop3A_171 : vector<16xi32>
        %parallel_loop3A_173 = arith.select %parallel_loop3A_169, %parallel_loop3A_172, %add3A_18 : vector<16xi1>, vector<16xi32>
        %parallel_loop3A_174 = vector.shape_cast %parallel_loop3A_173 : vector<16xi32> to vector<16x1xi32>
        %parallel_loop3A_175 = vector.shape_cast %parallel_loop3A_174 : vector<16x1xi32> to vector<16xi32>
        %parallel_loop3A_176 = tpu.dynamic_gather %parallel_loop3A_154[%parallel_loop3A_175] in [0] : vector<16xf32>, vector<16xi32> -> vector<16xf32>
        %parallel_loop3A_177 = tpu.bitcast %parallel_loop3A_176 : vector<16xf32> -> vector<16xi32>
        %parallel_loop3A_178 = arith.constant 0 : i32
        %parallel_loop3A_179 = vector.broadcast %parallel_loop3A_178 : i32 to vector<16xi32>
        %parallel_loop3A_180 = arith.cmpi slt, %add3A_25, %parallel_loop3A_179 : vector<16xi32>
        %parallel_loop3A_181 = arith.constant 16 : i32
        %parallel_loop3A_182 = vector.broadcast %parallel_loop3A_181 : i32 to vector<16xi32>
        %parallel_loop3A_183 = arith.addi %add3A_25, %parallel_loop3A_182 : vector<16xi32>
        %parallel_loop3A_184 = arith.select %parallel_loop3A_180, %parallel_loop3A_183, %add3A_25 : vector<16xi1>, vector<16xi32>
        %parallel_loop3A_185 = vector.shape_cast %parallel_loop3A_184 : vector<16xi32> to vector<16x1xi32>
        %parallel_loop3A_186 = vector.shape_cast %parallel_loop3A_185 : vector<16x1xi32> to vector<16xi32>
        %parallel_loop3A_187 = tpu.dynamic_gather %parallel_loop3A_154[%parallel_loop3A_186] in [0] : vector<16xf32>, vector<16xi32> -> vector<16xf32>
        %parallel_loop3A_188 = tpu.bitcast %parallel_loop3A_187 : vector<16xf32> -> vector<16xi32>
        %parallel_loop3A_189 = arith.subi %parallel_loop3A_155, %shift_right_arithmetic3A_30 : vector<16xi32>
        %parallel_loop3A_190 = arith.cmpi sgt, %parallel_loop3A_166, %parallel_loop3A_189 : vector<16xi32>
        %parallel_loop3A_191 = arith.subi %parallel_loop3A_155, %and3A_36 : vector<16xi32>
        %parallel_loop3A_192 = arith.cmpi sgt, %parallel_loop3A_177, %parallel_loop3A_191 : vector<16xi32>
        %parallel_loop3A_193 = arith.subi %parallel_loop3A_155, %shift_right_arithmetic3A_42 : vector<16xi32>
        %parallel_loop3A_194 = arith.cmpi sgt, %parallel_loop3A_188, %parallel_loop3A_193 : vector<16xi32>
        %parallel_loop3A_195 = arith.andi %parallel_loop3A_190, %parallel_loop3A_192 : vector<16xi1>
        %parallel_loop3A_196 = arith.ori %parallel_loop3A_190, %parallel_loop3A_192 : vector<16xi1>
        %parallel_loop3A_197 = arith.andi %parallel_loop3A_194, %parallel_loop3A_196 : vector<16xi1>
        %parallel_loop3A_198 = arith.ori %parallel_loop3A_195, %parallel_loop3A_197 : vector<16xi1>
        %parallel_loop3A_199 = arith.andi %parallel_loop3A_198, %ne3A_46 : vector<16xi1>
        %parallel_loop3A_200 = arith.constant 0.000000e+00 : f32
        %parallel_loop3A_201 = vector.broadcast %parallel_loop3A_200 : f32 to vector<16xf32>
        %parallel_loop3A_202 = arith.select %parallel_loop3A_199, %parallel_loop3A_201, %parallel_loop3A_153 : vector<16xi1>, vector<16xf32>
        %parallel_loop3A_203 = arith.index_cast %parallel_loop3A_145 : i32 to index
        %parallel_loop3A_204 = arith.index_cast %parallel_loop3A_149 : i32 to index
        %parallel_loop3A_205 = tpu.vector_load %arg8[%parallel_loop3A_203, %parallel_loop3A_204] {strides = array<i32>} : memref<8x2048xf32, #tpu.memory_space<vmem>>, vector<1x16xf32>,
        %parallel_loop3A_206 = vector.shape_cast %parallel_loop3A_205 : vector<1x16xf32> to vector<16xf32>
        %parallel_loop3A_207 = vector.shape_cast %parallel_loop3A_202 : vector<16xf32> to vector<1x16xf32>
        tpu.vector_store %arg8[%parallel_loop3A_203, %parallel_loop3A_204], %parallel_loop3A_207 {strides = array<i32>} : memref<8x2048xf32, #tpu.memory_space<vmem>>, vector<1x16xf32>,
      } {sc.loop_unroll_factor = 4 : i64, sc.parallel_access}
      %shift_right_arithmetic3A_127 = arith.constant 2 : i32
      %shift_right_arithmetic3A_128 = arith.shrsi %add3A_77, %shift_right_arithmetic3A_127 : i32
      %mul3A_129 = arith.constant 8 : i32
      %mul3A_130 = arith.muli %shift_right_arithmetic3A_128, %mul3A_129 : i32
      %add3A_131 = arith.addi %mul3A_2, %mul3A_130 : i32
      %and3A_132 = arith.constant 3 : i32
      %and3A_133 = arith.andi %add3A_77, %and3A_132 : i32
      %mul3A_134 = arith.constant 2048 : i32
      %mul3A_135 = arith.muli %and3A_133, %mul3A_134 : i32
      %dma_start3A_136 = tpu.memref_slice %arg4[%add3A_131, %mul3A_135] : memref<4096x8192xf32, #tpu.memory_space<hbm>> -> memref<8x2048xf32, #tpu.memory_space<hbm>>
      %dma_start3A_137 = tpu.memref_slice %arg4[%add3A_131, %mul3A_135] : memref<4096x8192xf32, #tpu.memory_space<hbm>> -> memref<8x2048xf32, #tpu.memory_space<hbm>>
      tpu.enqueue_dma source(%arg8 : memref<8x2048xf32, #tpu.memory_space<vmem>>) target(%dma_start3A_137 : memref<8x2048xf32, #tpu.memory_space<hbm>>) target_semaphore(%arg13 : memref<!tpu.dma_semaphore, #tpu.memory_space<semaphore_mem>>)
      %lt3A_138 = arith.constant 31 : i32
      %lt3A_139 = arith.cmpi slt, %scan3A_73, %lt3A_138 : i32
      %convert_element_type3A_140 = arith.extui %lt3A_139 : i1 to i32
      %cond3A_141 = arith.constant 0 : i32
      %cond3A_142 = arith.cmpi ne, %convert_element_type3A_140, %cond3A_141 : i32
      scf.if %cond3A_142 {
        %add3A_143 = arith.constant 2 : i32
        %add3A_144 = arith.addi %add3A_77, %add3A_143 : i32
        %shift_right_arithmetic3A_145 = arith.constant 2 : i32
        %shift_right_arithmetic3A_146 = arith.shrsi %add3A_144, %shift_right_arithmetic3A_145 : i32
        %mul3A_147 = arith.constant 8 : i32
        %mul3A_148 = arith.muli %shift_right_arithmetic3A_146, %mul3A_147 : i32
        %add3A_149 = arith.addi %mul3A_2, %mul3A_148 : i32
        %and3A_150 = arith.constant 3 : i32
        %and3A_151 = arith.andi %add3A_144, %and3A_150 : i32
        %mul3A_152 = arith.constant 2048 : i32
        %mul3A_153 = arith.muli %and3A_151, %mul3A_152 : i32
        %dma_start3A_154 = tpu.memref_slice %arg2[%add3A_149, %mul3A_153] : memref<4096x8192xf32, #tpu.memory_space<hbm>> -> memref<8x2048xf32, #tpu.memory_space<hbm>>
        %dma_start3A_155 = tpu.memref_slice %arg2[%add3A_149, %mul3A_153] : memref<4096x8192xf32, #tpu.memory_space<hbm>> -> memref<8x2048xf32, #tpu.memory_space<hbm>>
        tpu.enqueue_dma source(%dma_start3A_155 : memref<8x2048xf32, #tpu.memory_space<hbm>>) target(%arg6 : memref<8x2048xf32, #tpu.memory_space<vmem>>) target_semaphore(%arg11 : memref<!tpu.dma_semaphore, #tpu.memory_space<semaphore_mem>>)
      } else {
      }
    }
    %scan3A_61 = arith.constant 32 : i32
    %add3A_62 = arith.constant 120 : i32
    %add3A_63 = arith.addi %mul3A_2, %add3A_62 : i32
    %dma_wait3A = arith.constant 4096 : i32
    %dma_wait3A_64 = tpu.memref_slice %arg4[%add3A_63, %dma_wait3A] : memref<4096x8192xf32, #tpu.memory_space<hbm>> -> memref<8x2048xf32, #tpu.memory_space<hbm>>
    %dma_wait3A_65 = arith.constant 4096 : i32
    %dma_wait3A_66 = tpu.memref_slice %arg4[%add3A_63, %dma_wait3A_65] : memref<4096x8192xf32, #tpu.memory_space<hbm>> -> memref<8x2048xf32, #tpu.memory_space<hbm>>
    tpu.wait_dma2 semaphore(%arg12 : memref<!tpu.dma_semaphore, #tpu.memory_space<semaphore_mem>>) src(%arg7 : memref<8x2048xf32, #tpu.memory_space<vmem>>) dst(%dma_wait3A_66 : memref<8x2048xf32, #tpu.memory_space<hbm>>)
    %add3A_67 = arith.constant 120 : i32
    %add3A_68 = arith.addi %mul3A_2, %add3A_67 : i32
    %dma_wait3A_69 = arith.constant 6144 : i32
    %dma_wait3A_70 = tpu.memref_slice %arg4[%add3A_68, %dma_wait3A_69] : memref<4096x8192xf32, #tpu.memory_space<hbm>> -> memref<8x2048xf32, #tpu.memory_space<hbm>>
    %dma_wait3A_71 = arith.constant 6144 : i32
    %dma_wait3A_72 = tpu.memref_slice %arg4[%add3A_68, %dma_wait3A_71] : memref<4096x8192xf32, #tpu.memory_space<hbm>> -> memref<8x2048xf32, #tpu.memory_space<hbm>>
    tpu.wait_dma2 semaphore(%arg13 : memref<!tpu.dma_semaphore, #tpu.memory_space<semaphore_mem>>) src(%arg8 : memref<8x2048xf32, #tpu.memory_space<vmem>>) dst(%dma_wait3A_72 : memref<8x2048xf32, #tpu.memory_space<hbm>>)
    return
  }
}

</mosaic_0001>

<sc_bundles>
// kernel: kernel.3.cloned.1.call-start
scs
__scs_entry_jumppad:
0x0: {  	(pc) =	sbr.rel $0x88, $3  }
0x1: {  	(tag) =	ssettag $0x0;
	lr =	simm.s32 $0x1  }
0x2: {  	[smem:$0x3F9E] =	sst lr;
	_ =	strace $0xD0000000  }
0x3: {  	_ = 	snop  }
0x4: {  	_ = 	snop  }
0x5: {  	_ = 	snop  }
0x6: {  	_ = 	snop  }
0x7: {  	_ = 	snop  }
__scs_overlays_trampoline_lowered:
0x8: {  	[smem:$0x3FAD] =	sst s0  }
0x9: {  	[smem:$0x3FAE] =	sst s1  }
0xa: {  	[smem:$0x3FAF] =	sst s2  }
0xb: {  	[smem:$0x3FB0] =	sst s3  }
0xc: {  	[smem:$0x3FB1] =	sst s4  }
0xd: {  	[smem:$0x3FB2] =	sst s5  }
0xe: {  	[smem:$0x3FB3] =	sst s6  }
0xf: {  	[smem:$0x3FB4] =	sst s7  }
0x10: {  	[smem:$0x3FB5] =	sst s8  }
0x11: {  	[smem:$0x3FB6] =	sst s9;
	s0 =	simm.s32 @!p0 $0x0  }
0x12: {  	s1 =	sld [smem:$0x3F9C];
	s0 =	simm.s32 @p0 $0x1  }
0x13: {  	[smem:$0x3FB7] =	sst s0;
	s0 =	simm.s32 @!p1 $0x0  }
0x14: {  	s2 =	sld [smem:$0x3F9B];
	s0 =	simm.s32 @p1 $0x1  }
0x15: {  	[smem:$0x3FB8] =	sst s0;
	s0 =	simm.s32 @!p2 $0x0  }
0x16: {  	s3 =	sld [smem:$0x3FDB];
	s0 =	simm.s32 @p2 $0x1  }
0x17: {  	s4 =	simm.s32 $0x1BF5;
	[smem:$0x3FBA] =	sst s0  }
0x18: {  	s0 =	sld [smem:$0x3F9D];
	_ =	swait.ge [sflag:s4], $0x0  }
0x19: {  	s7 =	sld [smem:$0x3F9E]  }
0x1a: {  	s8 =	sadd.s32 $0xFFFFE003, lr  }
0x1b: {  	s9 =	sadd.s32 $0xFFFFFEF7, lr;
	s5 =	simm.s32 $0xFFFFFFFF;
	p2 =	slt.u32 s8, $0xFFFFF086  }
0x1c: {  	p1 =	slt.u32 s9, $0xF7A;
	s5 =	simm.s32 @!p2 $0x0  }
0x1d: {  	s5 =	simm.s32 @p1 $0x1;
	p0 =	seq.s32 s7, s2  }
0x1e: {  	s7 =	smul.u32 @!p0 $0xF7A, s2;
	p2 =	seq.s32 @!p0 s5, $0x0  }
0x1f: {  	s9 =	smul.u32 $0xF7A, s1;
	s8 =	simm.s32 @!p0 $0x1BF5;
	p2 =	por !p2, p0  }
0x20: {  	[sflag:s8] =	ssyncset.s32 @!p0 $0xFFFFF086;
	s6 =	sadd.s32 @!p0 s3, s7;
	s7 =	simm.s32 @!p0 $0x108  }
0x21: {  	s3 =	sadd.s32 s3, s9;
	s6 =	sadd.s32 @!p0 $0x88, s6;
	s7 =	simm.s32 @p2 $0x1082  }
0x22: {  	[simem:s7], [sflag:s8] =	dma.local @!p0 [hbm:s6], $0xF7A  }
0x23: {  	s9 =	sor.u32 $0xD0000000, s2;
	s6 =	simm.s32 $0x108;
	_ =	swait.ge @!p0 [sflag:s8], $0x0  }
0x24: {  	s3 =	sadd.s32 $0x88, s3;
	s6 =	simm.s32 @!p1 $0x1082;
	[sflag:s4] =	ssyncset.s32 $0xFFFFF086  }
0x25: {  	[simem:s6], [sflag:s4] =	dma.local [hbm:s3], $0xF7A  }
0x26: {  	[smem:$0x3F9E] =	sst s1;
	(tag) =	ssettag s2;
	_ =	strace s9  }
0x27: {  	s1 =	sld [smem:$0x3FAE]  }
0x28: {  	s2 =	sld [smem:$0x3FAF]  }
0x29: {  	s4 =	sld [smem:$0x3FB1]  }
0x2a: {  	p0 =	seq.s32 s5, $0x0;
	s5 =	sld [smem:$0x3FB2]  }
0x2b: {  	s6 =	sld [smem:$0x3FB3]  }
0x2c: {  	s7 =	sld [smem:$0x3FB4]  }
0x2d: {  	s3 =	simm.s32 $0x108;
	s8 =	sld [smem:$0x3FB5]  }
0x2e: {  	s3 =	simm.s32 @!p0 $0x1082;
	s9 =	sld [smem:$0x3FB6]  }
0x2f: {  	lr =	sadd.s32 s0, s3;
	s0 =	sld [smem:$0x3FAD]  }
0x30: {  	s3 =	sld [smem:$0x3FB0]  }
0x31: {  	[smem:$0x3FB9] =	sst s10  }
0x32: {  	s10 =	sld [smem:$0x3FB7];
	_ =	sdelay $0x3  }
0x33: {  	p0 =	seq.s32 s10, $0x1;
	s10 =	sld [smem:$0x3FB9];
	_ =	sdelay $0x3  }
0x34: {  	[smem:$0x3FB9] =	sst s10  }
0x35: {  	s10 =	sld [smem:$0x3FB8];
	_ =	sdelay $0x3  }
0x36: {  	p1 =	seq.s32 s10, $0x1;
	s10 =	sld [smem:$0x3FB9];
	_ =	sdelay $0x3  }
0x37: {  	[smem:$0x3FB9] =	sst s10  }
0x38: {  	s10 =	sld [smem:$0x3FBA]  }
0x39: {  	_ = 	snop;
	(pc) =	sbr.ind lr, $3  }
0x3a: {  	_ = 	snop  }
0x3b: {  	_ = 	snop  }
0x3c: {  	p2 =	seq.s32 s10, $0x1;
	s10 =	sld [smem:$0x3FB9]  }
0x3d: {  	_ =	shalt  }
0x3e: {  	_ =	shalt  }
0x3f: {  	_ =	shalt  }
0x40: {  	_ =	shalt  }
0x41: {  	_ =	shalt  }
0x42: {  	_ =	shalt  }
0x43: {  	_ =	shalt  }
0x44: {  	_ =	shalt  }
0x45: {  	_ =	shalt  }
0x46: {  	_ =	shalt  }
0x47: {  	_ =	shalt  }
0x48: {  	_ =	shalt  }
0x49: {  	_ =	shalt  }
0x4a: {  	_ =	shalt  }
0x4b: {  	_ =	shalt  }
0x4c: {  	_ =	shalt  }
0x4d: {  	_ =	shalt  }
0x4e: {  	_ =	shalt  }
0x4f: {  	_ =	shalt  }
0x50: {  	_ =	shalt  }
0x51: {  	_ =	shalt  }
0x52: {  	_ =	shalt  }
0x53: {  	_ =	shalt  }
0x54: {  	_ =	shalt  }
0x55: {  	_ =	shalt  }
0x56: {  	_ =	shalt  }
0x57: {  	_ =	shalt  }
0x58: {  	_ =	shalt  }
0x59: {  	_ =	shalt  }
0x5a: {  	_ =	shalt  }
0x5b: {  	_ =	shalt  }
0x5c: {  	_ =	shalt  }
0x5d: {  	_ =	shalt  }
0x5e: {  	_ =	shalt  }
0x5f: {  	_ =	shalt  }
0x60: {  	_ =	shalt  }
0x61: {  	_ =	shalt  }
0x62: {  	_ =	shalt  }
0x63: {  	_ =	shalt  }
0x64: {  	_ =	shalt  }
0x65: {  	_ =	shalt  }
0x66: {  	_ =	shalt  }
0x67: {  	_ =	shalt  }
0x68: {  	_ =	shalt  }
0x69: {  	_ =	shalt  }
0x6a: {  	_ =	shalt  }
0x6b: {  	_ =	shalt  }
0x6c: {  	_ =	shalt  }
0x6d: {  	_ =	shalt  }
0x6e: {  	_ =	shalt  }
0x6f: {  	_ =	shalt  }
0x70: {  	_ =	shalt  }
0x71: {  	_ =	shalt  }
0x72: {  	_ =	shalt  }
0x73: {  	_ =	shalt  }
0x74: {  	_ =	shalt  }
0x75: {  	_ =	shalt  }
0x76: {  	_ =	shalt  }
0x77: {  	_ =	shalt  }
0x78: {  	_ =	shalt  }
0x79: {  	_ =	shalt  }
0x7a: {  	_ =	shalt  }
0x7b: {  	_ =	shalt  }
0x7c: {  	_ =	shalt  }
0x7d: {  	_ =	shalt  }
0x7e: {  	_ =	shalt  }
0x7f: {  	_ =	shalt  }
0x80: {  	_ =	shalt  }
0x81: {  	_ =	shalt  }
0x82: {  	_ =	shalt  }
0x83: {  	_ =	shalt  }
0x84: {  	_ =	shalt  }
0x85: {  	_ =	shalt  }
0x86: {  	_ =	shalt  }
0x87: {  	_ =	shalt  }
.Lfunc_end0:
.L_simem_size_0:
called_computation_lowered:
.L_overlay_start_0:
0x88: {  	s2 =	sld [smem:$0x3FD9]  }
0x89: {  	s3 =	sld [smem:$0x3FFE];
	_ =	sdelay $0x1  }
0x8a: {  	s1 =	srdreg.scid  }
0x8b: {  	s0 =	sand.u32 $0x1, s1  }
0x8c: {  	s17 =	sshll.u32 s0, $0xA;
	s2 =	sadd.s32 s3, s2  }
0x8d: {  	s2 =	sadd.s32 s2, s17  }
0x8e: {  	[smem:$0x3FC5] =	sst s2  }
0x8f: {  	_ = 	snop  }
0x90: {  	s2 =	sld [smem:$0x3FC9]  }
0x91: {  	s18 =	sld [smem:$0x3FD0];
	(tm) =	ssettm $0x1  }
0x92: {  	s4 =	sld [smem:$0x3FFB];
	_ =	sdelay $0x3  }
0x93: {  	_ =	strace s4  }
0x94: {  	s4 =	sld [smem:$0x3FFC];
	_ =	sdelay $0x3  }
0x95: {  	_ =	strace s4  }
0x96: {  	s4 =	sld [smem:$0x3FFD];
	_ =	sdelay $0x3  }
0x97: {  	_ =	strace s4  }
0x98: {  	_ =	strace $0x8FFFFFFF  }
0x99: {  	s19 =	sld [smem:$0x3FDB];
	_ =	sdelay $0x1  }
0x9a: {  	s5 =	simm.s32 $_scs_section_size  }
0x9b: {  	s6 =	simm.s32 $_size__tile_overlayer_lowered;
	s7 =	simm.s32 $_tile_overlayer_lowered  }
0x9c: {  	s22 =	simm.s32 $0x1BFF;
	s21 =	sshll.u32 s7, $0x1;
	s4 =	sadd.s32 s5, s19  }
0x9d: {  	s8 =	simm.s32 $0x0;
	s20 =	sshll.u32 s6, $0x1;
	s6 =	sadd.s32 s21, s4  }
0x9e: {  	[timem:s8], [sflag:s22] =	dma.local [hbm:s6], s20  }
0x9f: {  	_ =	swait.ge [sflag:s22], s20  }
0xa0: {  	s5 =	ssub.s32 $0x0, s20;
	[sflag:s22] =	ssyncset.done $0x0  }
0xa1: {  	[sflag:s22] =	ssyncadd.s32 s5;
	_ =	sdelay $0x1  }
0xa2: {  	s23 =	simm.s32 $0x1B8B  }
0xa3: {  	_ =	swait.ge [sflag:s23], $0x1  }
0xa4: {  	[sflag:s23] =	ssyncset.done $0x0  }
0xa5: {  	s25 =	simm.s32 $0x1B8E;
	s24 =	sld [smem:$0x3FFE];
	[sflag:s23] =	ssyncadd.s32 $0xFFFFFFFF  }
0xa6: {  	s26 =	simm.s32 $execute0_lowered;
	[smem:$0x3FD2] =	sst s25  }
0xa7: {  	s6 =	sshll.u32 s26, $0x1;
	_ =	strace $0x80000046;
	[dreg:$0x1] =	wrdreg $0xFFFFFFFF  }
0xa8: {  	s28 =	simm.s32 $_size_execute0_lowered;
	s4 =	sadd.s32 s4, s6;
	[dreg:$0x0] =	wrdreg $0x0  }
0xa9: {  	s6 =	sshll.u32 s28, $0x1;
	[dreg:$0x2] =	wrdreg s4  }
0xaa: {  	[dreg:$0x3] =	wrdreg s6  }
0xab: {  	[dreg:$0x4] =	wrdreg $0xC0  }
0xac: {  	_ =	task [dreg:s8], $0x5FFFF  }
0xad: {  	[dreg:$0x1] =	wrdreg $0xFFFFFFFF  }
0xae: {  	[dreg:$0x0] =	wrdreg $0x60  }
0xaf: {  	[dreg:$0x2] =	wrdreg s2  }
0xb0: {  	[dreg:$0x3] =	wrdreg s24  }
0xb1: {  	[dreg:$0x4] =	wrdreg s18  }
0xb2: {  	[dreg:$0x5] =	wrdreg $0x9  }
0xb3: {  	_ =	task.clear_ibuf [dreg:s8], $0x6FFFF;
	_ =	strace $0x90000046  }
0xb4: {  	s29 =	simm.s32 $0x9;
	_ =	strace $0x80000048  }
0xb5: {  	_ =	swait.ge [sflag:s29], $0x1  }
0xb6: {  	[sflag:s29] =	ssyncadd.s32 $0xFFFFFFFF  }
0xb7: {  	_ =	strace $0x90000048  }
0xb8: {  	_ =	sfence  }
0xb9: {  	s30 =	sld [smem:$0x0];
	_ =	sdelay $0x2  }
0xba: {  	s31 =	sshll.u32 s1, $0xD;
	s1 =	sshrl.u32 s1, $0x2  }
0xbb: {  	s3 =	sand.u32 $0x4000, s31;
	s1 =	sadd.s32 s1, s30  }
0xbc: {  	s0 =	sor.u32 s3, s0;
	s1 =	sshll.u32 s1, $0x11  }
0xbd: {  	s0 =	sor.u32 s1, s0  }
0xbe: {  	s0 =	sadd.s32 $0x8F2B, s0  }
0xbf: {  	[sflag:s0] =	ssyncadd.remote.s32 $0x1  }
0xc0: {  	_ =	sfence.sel $0xFFFF  }
0xc1: {  	[dreg:$0x0] =	wrdreg $0xFFFFFFFF;
	(pc) =	sbr.abs _section_cstart, $3  }
0xc2: {  	[dreg:$0x1] =	wrdreg $0xFFFFFFFF  }
0xc3: {  	_ =	task.clear_ibuf [dreg:s8], $0x2FFFF;
	_ =	strace $0x9FFFFFFF  }
0xc4: {  	(tm) =	ssettm $0x7FFFFFFF  }
0xc5: {  	_ =	shalt  }
tec
execute0_lowered:
.L_overlay_start_1:
0x0: {  	(tag) =	ssettag $0x1  }
0x1: {  	s0 =	rddreg [dreg:$0x0]  }
0x2: {  	s6 =	rddreg [dreg:$0x1]  }
0x3: {  	v0 =	vimm.s32 $0xCFED8BA9;
	v1 =	vimm.s32 $0x47650321;
	v2 =	vimm.s32 $0xDCFE98BA;
	s2 =	rddreg [dreg:$0x2]  }
0x4: {  	s4 =	srdreg.scid;
	v3 =	vimm.s32 $0x54761032;
	v4 =	vimm.s32 $0xEDCFA98B;
	v5 =	vimm.s32 $0x65472103;
	s1 =	rddreg [dreg:$0x3]  }
0x5: {  	s3 =	stileid.u32;
	s10 =	simm.s32 $0x10000;
	s11 =	simm.s32 $0x5;
	v0 =	vunpack.c.l.s4.s8 v0;
	v1 =	vunpack.c.l.s4.s8 v1;
	v2 =	vunpack.c.l.s4.s8 v2  }
0x6: {  	s12 =	simm.s32 $0x4000;
	s13 =	simm.s32 $0x1;
	s14 =	simm.s32 $0x8000;
	v3 =	vunpack.c.l.s4.s8 v3;
	v4 =	vunpack.c.l.s4.s8 v4;
	v5 =	vunpack.c.l.s4.s8 v5  }
0x7: {  	s15 =	simm.s32 $0x2;
	s16 =	simm.s32 $0x4;
	s17 =	simm.s32 $0xC000;
	v0 =	vunpack.c.0.s8.s32 v0;
	v1 =	vunpack.c.0.s8.s32 v1;
	v2 =	vunpack.c.0.s8.s32 v2  }
0x8: {  	s18 =	simm.s32 $0x3;
	s19 =	simm.s32 $0x0;
	s5 =	sand.u32 $0x1, s4;
	v3 =	vunpack.c.0.s8.s32 v3;
	v4 =	vunpack.c.0.s8.s32 v4;
	v5 =	vunpack.c.0.s8.s32 v5  }
.Ltmp0:
0x9: {  	v6 =	vimm.s32 $0xFFFFFF00;
	s7 =	sshll.u32 s3, $0x8;
	s8 =	sshll.u32 s5, $0x7;
	v0 =	vcombine.low v1, v0;
	(pc) =	sbr.rel .LBB2_1-.Ltmp0, $4  }
0xa: {  	s4 =	simm.s32 $0x0;
	s9 =	ssub.s32 $0x2, s5;
	s5 =	sor.u32 s8, s7;
	v1 =	vcombine.low v3, v2;
	v2 =	vcombine.low v5, v4;
	v3 =	vlaneseq.u32  }
0xb: {  	s6 =	sadd.s32 $0x400, s6;
	s31 =	sshrl.u32 s9, $0x1;
	s8 =	sshll.u32 s5, $0xA;
	v4 =	vimm.s32 $0xFF000000;
	v3 =	vshrl.u32 v3, $0x1;
	v0 =	vand.u32 $0xF, v0  }
0xc: {  	[smem:$0x7FF] =	sst s4;
	s9 =	ssub.s32 s9, s31;
	s7 =	sadd.s32 s0, s8;
	v1 =	vand.u32 $0xF, v1;
	v2 =	vand.u32 $0xF, v2;
	v5 =	vand.u32 $0x1, v3  }
0xd: {  	_ =	strace $0x80000047;
	s9 =	smax.u32 s9, $0x1;
	s8 =	sadd.s32 $0x800, s7;
	v3 =	vunpack.c.0.s8.s32 v4;
	v4 =	vmul.u32 $0xFFFFFFFF, v5;
	v5 =	vunpack.c.0.s8.s32 v6  }
.LBB2_12:
0xe: {  	s19 =	sadd.s32 $0x1, s19  }
0xf: {  	_ =	swait.ge [sflag:s18], $0x4000;
	p0 =	sne.s32 s19, s9  }
.Ltmp1:
0x10: {  	[sflag:s18] =	ssyncset.done $0x0;
	(pc) =	sbr.rel @!p0 .LBB2_13-.Ltmp1, $4  }
0x11: {  	[sflag:s18] =	ssyncadd.s32 $0xFFFFC000  }
0x12: {  	_ =	swait.ge [sflag:s16], $0x4000  }
0x13: {  	[sflag:s16] =	ssyncset.done $0x0  }
0x14: {  	[sflag:s16] =	ssyncadd.s32 $0xFFFFC000  }
.LBB2_1:
0x15: {  	[tilespmem:s10], [sflag:$0x5] =	stream.linear.gather [hbm4b:s6+s4], $0x80, $0x38;
	[tilespmem:$0x10080] =	vst v63  }
0x16: {  	_ =	swait.ge [sflag:s11], $0x80  }
0x17: {  	[sflag:s11] =	ssyncset.done $0x0  }
0x18: {  	[sflag:s11] =	ssyncadd.s32 $0xFFFFFF80  }
0x19: {  	v6 =	vld [tilespmem:$0x10000];
	_ =	sdelay $0x2  }
0x1a: {  	[tilespmem:s4], [sflag:$0x1] =	stream.linear.gather [hbm4b:s7+s4], $0x4000, $0x38;
	[tilespmem:$0x10080] =	vst v63  }
0x1b: {  	s20 =	simm.s32 $0x0  }
0x1c: {  	[tilespmem:s12], [sflag:$0x2] =	stream.linear.gather [hbm4b:s8+s4], $0x4000, $0x38;
	vm0 =	vne.s32 v6, $0x0;
	[tilespmem:$0x10080] =	vst v63  }
.LBB2_2:
0x1d: {  	_ =	swait.ge [sflag:s13], $0x4000  }
0x1e: {  	p0 =	seq.s32 s20, $0x0;
	s22 =	simm.s32 $0x0;
	[sflag:s13] =	ssyncset.done $0x0  }
0x1f: {  	s23 =	simm.s32 $0x0;
	s21 =	simm.s32 @!p0 $0x3;
	[sflag:s13] =	ssyncadd.s32 $0xFFFFC000  }
0x20: {  	s24 =	sand.u32 $0x3C00, s22;
	s25 =	sand.u32 $0x380, s23;
	_ =	swait.ge @!p0 [sflag:s21], $0x4000  }
0x21: {  	s26 =	sand.u32 $0x40, s22;
	s24 =	sor.u32 s25, s24;
	[sflag:s21] =	ssyncset.done @!p0 $0x0  }
0x22: {  	s24 =	sor.u32 s26, s24;
	[sflag:s21] =	ssyncadd.s32 @!p0 $0xFFFFC000  }
0x23: {  	v12 =	vld [tilespmem:s24+$0x30]  }
0x24: {  	v6 =	vld [tilespmem:s24+$0x0];
	_ =	sdelay $0x3  }
0x25: {  	v7 =	vld [tilespmem:s24+$0x10];
	v10 =	vand.u32 $0x7FFFFFFF, v12  }
0x26: {  	v8 =	vld [tilespmem:s24+$0x20];
	v9 =	vand.u32 $0x7FFFFFFF, v6;
	v11 =	vperm.xlane v10, v0;
	v13 =	vperm.xlane v10, v1  }
0x27: {  	v14 =	vperm.xlane v10, v2;
	v15 =	vadd.s32 v3, v10;
	v16 =	vadd.s32 v4, v10  }
0x28: {  	v21 =	vperm.xlane v9, v0;
	v22 =	vperm.xlane v9, v1;
	v25 =	vadd.s32 v3, v9  }
0x29: {  	v26 =	vadd.s32 v4, v9;
	vm1 =	vlt.s32 v15, v11;
	v11 =	vadd.s32 v5, v10  }
0x2a: {  	vm2 =	vlt.s32 v16, v13;
	v10 =	vand.u32 $0x7FFFFFFF, v7;
	vm3 =	vlt.s32 v11, v14  }
0x2b: {  	vm4 =	vmor vm1, vm2;
	v11 =	vand.u32 $0x7FFFFFFF, v8;
	v23 =	vperm.xlane v10, v0  }
0x2c: {  	vm1 =	vmand vm1, vm2;
	v15 =	vperm.xlane v10, v1;
	v13 =	vperm.xlane v10, v2  }
0x2d: {  	v27 =	vadd.s32 v3, v10;
	v18 =	vadd.s32 v4, v10;
	vm2 =	vmand vm3, vm4  }
0x2e: {  	v16 =	vperm.xlane v11, v0;
	v17 =	vperm.xlane v11, v1;
	vm1 =	vmor vm1, vm2  }
0x2f: {  	s30 =	sshll.u32 s20, $0x2;
	v14 =	vperm.xlane v11, v2;
	v19 =	vadd.s32 v3, v11;
	vm1 =	vmand vm0, vm1  }
0x30: {  	s31 =	sand.u32 $0x78, s30;
	v20 =	vadd.s32 v4, v11;
	vm3 =	vlt.s32 v26, v22;
	v24 =	vsel vm1, $0x0, v12  }
0x31: {  	s25 =	sor.u32 s5, s31;
	s26 =	simm.s32 $0x0;
	s21 =	sshll.u32 s20, $0x1;
	vm2 =	vlt.s32 v27, v23;
	v12 =	vperm.xlane v9, v2;
	vm1 =	vlt.s32 v25, v21;
	[tilespmem:s24+$0x8030] =	vst v24  }
.LBB2_3:
0x32: {  	s23 =	sadd.s32 $0x4, s23;
	vm4 =	vlt.s32 v18, v15;
	vm5 =	vlt.s32 v19, v16;
	vm6 =	vlt.s32 v20, v17;
	s22 =	sadd.s32 $0x200, s22  }
0x33: {  	v9 =	vadd.s32 v5, v9;
	v10 =	vadd.s32 v5, v10;
	v11 =	vadd.s32 v5, v11;
	s26 =	sadd.s32 $0x40, s26;
	s28 =	sand.u32 $0x3C00, s22;
	s29 =	sand.u32 $0x380, s23  }
0x34: {  	vm7 =	vmor vm1, vm3;
	s30 =	sand.u32 $0x40, s26;
	p1 =	slt.u32 s23, $0x3FC;
	vm8 =	vmor vm2, vm4;
	vm9 =	vmor vm5, vm6;
	s28 =	sor.u32 s29, s28  }
0x35: {  	vm10 =	vlt.s32 v9, v12;
	vm11 =	vlt.s32 v10, v13;
	vm12 =	vlt.s32 v11, v14;
	s28 =	sor.u32 s30, s28  }
0x36: {  	vm7 =	vmand vm10, vm7;
	vm8 =	vmand vm11, vm8;
	vm9 =	vmand vm12, vm9;
	v12 =	vld [tilespmem:s28+$0x30]  }
0x37: {  	vm1 =	vmand vm1, vm3;
	vm2 =	vmand vm2, vm4;
	vm3 =	vmand vm5, vm6;
	v10 =	vld [tilespmem:s28+$0x0]  }
0x38: {  	vm1 =	vmor vm1, vm7;
	vm2 =	vmor vm2, vm8;
	vm3 =	vmor vm3, vm9;
	v11 =	vld [tilespmem:s28+$0x10]  }
0x39: {  	vm1 =	vmand vm0, vm1;
	vm2 =	vmand vm0, vm2;
	vm3 =	vmand vm0, vm3;
	v13 =	vld [tilespmem:s28+$0x20]  }
0x3a: {  	v17 =	vsel vm1, $0x0, v6;
	v7 =	vsel vm2, $0x0, v7;
	v8 =	vsel vm3, $0x0, v8  }
0x3b: {  	v14 =	vand.u32 $0x7FFFFFFF, v12;
	[tilespmem:s24+$0x8000] =	vst v17  }
0x3c: {  	v9 =	vand.u32 $0x7FFFFFFF, v10;
	v15 =	vperm.xlane v14, v0;
	v16 =	vperm.xlane v14, v1;
	[tilespmem:s24+$0x8010] =	vst v7;
	v6 =	vmovc v10  }
0x3d: {  	v17 =	vperm.xlane v14, v2;
	v18 =	vadd.s32 v3, v14;
	v10 =	vadd.s32 v4, v14;
	[tilespmem:s24+$0x8020] =	vst v8;
	s24 =	smov.u32 s28  }
0x3e: {  	v14 =	vadd.s32 v5, v14;
	v7 =	vmovc v11;
	vm1 =	vlt.s32 v18, v15;
	vm2 =	vlt.s32 v10, v16  }
0x3f: {  	v10 =	vand.u32 $0x7FFFFFFF, v7;
	vm3 =	vlt.s32 v14, v17;
	v8 =	vmovc v13;
	vm4 =	vmor vm1, vm2  }
0x40: {  	v11 =	vand.u32 $0x7FFFFFFF, v8;
	vm1 =	vmand vm1, vm2;
	vm2 =	vmand vm3, vm4  }
0x41: {  	v21 =	vperm.xlane v9, v0;
	v22 =	vperm.xlane v9, v1;
	vm1 =	vmor vm1, vm2  }
0x42: {  	v23 =	vperm.xlane v10, v0;
	v15 =	vperm.xlane v10, v1;
	vm1 =	vmand vm0, vm1  }
.Ltmp2:
0x43: {  	v16 =	vperm.xlane v11, v0;
	v17 =	vperm.xlane v11, v1;
	v13 =	vsel vm1, $0x0, v12;
	(pc) =	sbr.rel @p1 .LBB2_3-.Ltmp2, $4  }
0x44: {  	v24 =	vadd.s32 v3, v9;
	v25 =	vadd.s32 v4, v9;
	v12 =	vperm.xlane v9, v2;
	[tilespmem:s24+$0x8030] =	vst v13  }
0x45: {  	v26 =	vadd.s32 v3, v10;
	v18 =	vadd.s32 v4, v10;
	v13 =	vperm.xlane v10, v2  }
0x46: {  	v14 =	vperm.xlane v11, v2;
	v19 =	vadd.s32 v3, v11;
	v20 =	vadd.s32 v4, v11  }
0x47: {  	vm3 =	vlt.s32 v25, v22;
	vm2 =	vlt.s32 v26, v23;
	vm1 =	vlt.s32 v24, v21  }
0x48: {  	vm4 =	vlt.s32 v18, v15;
	vm5 =	vlt.s32 v19, v16;
	vm6 =	vlt.s32 v20, v17  }
0x49: {  	v9 =	vadd.s32 v5, v9;
	v10 =	vadd.s32 v5, v10;
	v11 =	vadd.s32 v5, v11  }
0x4a: {  	vm7 =	vmor vm1, vm3;
	vm1 =	vmand vm1, vm3;
	vm8 =	vmor vm2, vm4  }
0x4b: {  	vm9 =	vmor vm5, vm6;
	vm10 =	vlt.s32 v9, v12;
	vm11 =	vlt.s32 v10, v13  }
0x4c: {  	vm12 =	vlt.s32 v11, v14;
	vm2 =	vmand vm2, vm4;
	vm7 =	vmand vm10, vm7  }
0x4d: {  	vm15 =	vmand vm5, vm6;
	vm8 =	vmand vm11, vm8;
	vm1 =	vmor vm1, vm7  }
0x4e: {  	p1 =	sne.s32 s20, $0x1F;
	vm3 =	vmand vm12, vm9;
	vm2 =	vmor vm2, vm8;
	vm1 =	vmand vm0, vm1  }
.Ltmp3:
0x4f: {  	s22 =	sshll.u32 s20, $0xC;
	vm3 =	vmor vm15, vm3;
	vm2 =	vmand vm0, vm2;
	v6 =	vsel vm1, $0x0, v6;
	(pc) =	sbr.rel @p1 .LBB2_6-.Ltmp3, $4  }
0x50: {  	s23 =	sand.u32 $0x1000, s22;
	vm1 =	vmand vm0, vm3;
	v7 =	vsel vm2, $0x0, v7;
	[tilespmem:s24+$0x8000] =	vst v6  }
0x51: {  	s22 =	sshll.u32 s25, $0xA;
	s30 =	sadd.s32 s2, s23;
	v6 =	vsel vm1, $0x0, v8;
	[tilespmem:s24+$0x8010] =	vst v7  }
0x52: {  	s31 =	sadd.s32 s22, s30;
	[tilespmem:s24+$0x8020] =	vst v6  }
0x53: {  	[hbm4b:s31+s4] =	stream.linear.scatter [tilespmem:s14], [sflag:$0x3], $0x4000, $0x38;
	[tilespmem:$0x10080] =	vst v63  }
.Ltmp4:
0x54: {  	(pc) =	sbr.rel .LBB2_7-.Ltmp4, $4  }
0x55: {  	_ = 	snop  }
0x56: {  	_ =	swait.ge [sflag:s15], $0x4000  }
0x57: {  	[sflag:s15] =	ssyncset.done $0x0  }
0x58: {  	[sflag:s15] =	ssyncadd.s32 $0xFFFFC000  }
.LBB2_6:
0x59: {  	s24 =	sadd.s32 $0x2, s21  }
0x5a: {  	s25 =	sshll.u32 s24, $0x1  }
0x5b: {  	s24 =	sshll.u32 s24, $0xB;
	s25 =	sand.u32 $0xF8, s25  }
0x5c: {  	s24 =	sand.u32 $0x1000, s24;
	s25 =	sadd.s32 s5, s25  }
0x5d: {  	s24 =	sadd.s32 s0, s24;
	s25 =	sshll.u32 s25, $0xA  }
.Ltmp5:
0x5e: {  	s24 =	sadd.s32 s25, s24;
	(pc) =	sbr.rel @p0 .LBB2_8-.Ltmp5, $4  }
0x5f: {  	[tilespmem:s4], [sflag:$0x1] =	stream.linear.gather [hbm4b:s24+s4], $0x4000, $0x38;
	[tilespmem:$0x10080] =	vst v63  }
0x60: {  	_ =	swait.ge [sflag:s15], $0x4000  }
0x61: {  	[sflag:s15] =	ssyncset.done $0x0  }
0x62: {  	[sflag:s15] =	ssyncadd.s32 $0xFFFFC000  }
.LBB2_7:
0x63: {  	_ =	swait.ge [sflag:s16], $0x4000  }
0x64: {  	[sflag:s16] =	ssyncset.done $0x0  }
0x65: {  	[sflag:s16] =	ssyncadd.s32 $0xFFFFC000  }
.LBB2_8:
0x66: {  	s25 =	simm.s32 $0x0;
	s26 =	simm.s32 $0x0  }
0x67: {  	s24 =	sand.u32 $0x3C00, s25;
	s28 =	sand.u32 $0x380, s26  }
0x68: {  	s29 =	sand.u32 $0x40, s25;
	s24 =	sor.u32 s28, s24  }
0x69: {  	s24 =	sor.u32 s29, s24  }
0x6a: {  	v12 =	vld [tilespmem:s24+$0x4030]  }
0x6b: {  	v6 =	vld [tilespmem:s24+$0x4000];
	_ =	sdelay $0x3  }
0x6c: {  	v7 =	vld [tilespmem:s24+$0x4010];
	v10 =	vand.u32 $0x7FFFFFFF, v12  }
0x6d: {  	v8 =	vld [tilespmem:s24+$0x4020];
	v9 =	vand.u32 $0x7FFFFFFF, v6;
	v11 =	vperm.xlane v10, v0;
	v13 =	vperm.xlane v10, v1  }
0x6e: {  	v14 =	vperm.xlane v10, v2;
	v15 =	vadd.s32 v3, v10;
	v16 =	vadd.s32 v4, v10  }
0x6f: {  	v21 =	vperm.xlane v9, v0;
	v22 =	vperm.xlane v9, v1;
	v25 =	vadd.s32 v3, v9  }
0x70: {  	v26 =	vadd.s32 v4, v9;
	vm1 =	vlt.s32 v15, v11;
	v11 =	vadd.s32 v5, v10  }
0x71: {  	vm2 =	vlt.s32 v16, v13;
	v10 =	vand.u32 $0x7FFFFFFF, v7;
	vm3 =	vlt.s32 v11, v14  }
0x72: {  	vm4 =	vmor vm1, vm2;
	v11 =	vand.u32 $0x7FFFFFFF, v8;
	v23 =	vperm.xlane v10, v0  }
0x73: {  	vm1 =	vmand vm1, vm2;
	v15 =	vperm.xlane v10, v1;
	v13 =	vperm.xlane v10, v2  }
0x74: {  	v27 =	vadd.s32 v3, v10;
	v18 =	vadd.s32 v4, v10;
	vm2 =	vmand vm3, vm4  }
0x75: {  	v16 =	vperm.xlane v11, v0;
	v17 =	vperm.xlane v11, v1;
	vm1 =	vmor vm1, vm2  }
0x76: {  	v14 =	vperm.xlane v11, v2;
	v19 =	vadd.s32 v3, v11;
	vm1 =	vmand vm0, vm1  }
0x77: {  	v20 =	vadd.s32 v4, v11;
	vm3 =	vlt.s32 v26, v22;
	v24 =	vsel vm1, $0x0, v12  }
0x78: {  	s28 =	simm.s32 $0x0;
	vm2 =	vlt.s32 v27, v23;
	v12 =	vperm.xlane v9, v2;
	vm1 =	vlt.s32 v25, v21;
	[tilespmem:s24+$0xC030] =	vst v24  }
.LBB2_9:
0x79: {  	s26 =	sadd.s32 $0x4, s26;
	vm4 =	vlt.s32 v18, v15;
	vm5 =	vlt.s32 v19, v16;
	vm6 =	vlt.s32 v20, v17;
	s25 =	sadd.s32 $0x200, s25  }
0x7a: {  	v9 =	vadd.s32 v5, v9;
	v10 =	vadd.s32 v5, v10;
	v11 =	vadd.s32 v5, v11;
	s28 =	sadd.s32 $0x40, s28;
	s29 =	sand.u32 $0x3C00, s25;
	s30 =	sand.u32 $0x380, s26  }
0x7b: {  	vm7 =	vmor vm1, vm3;
	s31 =	sand.u32 $0x40, s28;
	p0 =	slt.u32 s26, $0x3FC;
	vm8 =	vmor vm2, vm4;
	vm9 =	vmor vm5, vm6;
	s29 =	sor.u32 s30, s29  }
0x7c: {  	vm10 =	vlt.s32 v9, v12;
	vm11 =	vlt.s32 v10, v13;
	vm12 =	vlt.s32 v11, v14;
	s29 =	sor.u32 s31, s29  }
0x7d: {  	vm7 =	vmand vm10, vm7;
	vm8 =	vmand vm11, vm8;
	vm9 =	vmand vm12, vm9;
	v12 =	vld [tilespmem:s29+$0x4030]  }
0x7e: {  	vm1 =	vmand vm1, vm3;
	vm2 =	vmand vm2, vm4;
	vm3 =	vmand vm5, vm6;
	v10 =	vld [tilespmem:s29+$0x4000]  }
0x7f: {  	vm1 =	vmor vm1, vm7;
	vm2 =	vmor vm2, vm8;
	vm3 =	vmor vm3, vm9;
	v11 =	vld [tilespmem:s29+$0x4010]  }
0x80: {  	vm1 =	vmand vm0, vm1;
	vm2 =	vmand vm0, vm2;
	vm3 =	vmand vm0, vm3;
	v13 =	vld [tilespmem:s29+$0x4020]  }
0x81: {  	v17 =	vsel vm1, $0x0, v6;
	v7 =	vsel vm2, $0x0, v7;
	v8 =	vsel vm3, $0x0, v8  }
0x82: {  	v14 =	vand.u32 $0x7FFFFFFF, v12;
	[tilespmem:s24+$0xC000] =	vst v17  }
0x83: {  	v9 =	vand.u32 $0x7FFFFFFF, v10;
	v15 =	vperm.xlane v14, v0;
	v16 =	vperm.xlane v14, v1;
	[tilespmem:s24+$0xC010] =	vst v7;
	v6 =	vmovc v10  }
0x84: {  	v17 =	vperm.xlane v14, v2;
	v18 =	vadd.s32 v3, v14;
	v10 =	vadd.s32 v4, v14;
	[tilespmem:s24+$0xC020] =	vst v8;
	s24 =	smov.u32 s29  }
0x85: {  	v14 =	vadd.s32 v5, v14;
	v7 =	vmovc v11;
	vm1 =	vlt.s32 v18, v15;
	vm2 =	vlt.s32 v10, v16  }
0x86: {  	v10 =	vand.u32 $0x7FFFFFFF, v7;
	vm3 =	vlt.s32 v14, v17;
	v8 =	vmovc v13;
	vm4 =	vmor vm1, vm2  }
0x87: {  	v11 =	vand.u32 $0x7FFFFFFF, v8;
	vm1 =	vmand vm1, vm2;
	vm2 =	vmand vm3, vm4  }
0x88: {  	v21 =	vperm.xlane v9, v0;
	v22 =	vperm.xlane v9, v1;
	vm1 =	vmor vm1, vm2  }
0x89: {  	v23 =	vperm.xlane v10, v0;
	v15 =	vperm.xlane v10, v1;
	vm1 =	vmand vm0, vm1  }
.Ltmp6:
0x8a: {  	v16 =	vperm.xlane v11, v0;
	v17 =	vperm.xlane v11, v1;
	v13 =	vsel vm1, $0x0, v12;
	(pc) =	sbr.rel @p0 .LBB2_9-.Ltmp6, $4  }
0x8b: {  	v24 =	vadd.s32 v3, v9;
	v25 =	vadd.s32 v4, v9;
	v12 =	vperm.xlane v9, v2;
	[tilespmem:s24+$0xC030] =	vst v13  }
0x8c: {  	v26 =	vadd.s32 v3, v10;
	v18 =	vadd.s32 v4, v10;
	v13 =	vperm.xlane v10, v2  }
0x8d: {  	v14 =	vperm.xlane v11, v2;
	v19 =	vadd.s32 v3, v11;
	v20 =	vadd.s32 v4, v11  }
0x8e: {  	vm3 =	vlt.s32 v25, v22;
	vm2 =	vlt.s32 v26, v23;
	vm1 =	vlt.s32 v24, v21  }
0x8f: {  	vm4 =	vlt.s32 v18, v15;
	vm5 =	vlt.s32 v19, v16;
	vm6 =	vlt.s32 v20, v17  }
0x90: {  	v9 =	vadd.s32 v5, v9;
	v10 =	vadd.s32 v5, v10;
	v11 =	vadd.s32 v5, v11  }
0x91: {  	vm7 =	vmor vm1, vm3;
	vm1 =	vmand vm1, vm3;
	vm8 =	vmor vm2, vm4  }
0x92: {  	vm9 =	vmor vm5, vm6;
	vm10 =	vlt.s32 v9, v12;
	vm11 =	vlt.s32 v10, v13  }
0x93: {  	vm12 =	vlt.s32 v11, v14;
	vm2 =	vmand vm2, vm4;
	vm7 =	vmand vm10, vm7  }
0x94: {  	vm15 =	vmand vm5, vm6;
	vm8 =	vmand vm11, vm8;
	vm1 =	vmor vm1, vm7  }
0x95: {  	p0 =	seq.s32 s20, $0x1F;
	vm3 =	vmand vm12, vm9;
	vm2 =	vmor vm2, vm8;
	vm1 =	vmand vm0, vm1  }
.Ltmp7:
0x96: {  	vm3 =	vmor vm15, vm3;
	vm2 =	vmand vm0, vm2;
	v6 =	vsel vm1, $0x0, v6;
	(pc) =	sbr.rel @p0 .LBB2_12-.Ltmp7, $4  }
0x97: {  	s23 =	sadd.s32 s23, s2;
	vm1 =	vmand vm0, vm3;
	v7 =	vsel vm2, $0x0, v7;
	[tilespmem:s24+$0xC000] =	vst v6  }
0x98: {  	s22 =	sadd.s32 s22, s23;
	v6 =	vsel vm1, $0x0, v8;
	[tilespmem:s24+$0xC010] =	vst v7  }
0x99: {  	s22 =	sadd.s32 $0x800, s22;
	[tilespmem:s24+$0xC020] =	vst v6  }
0x9a: {  	[hbm4b:s22+s4] =	stream.linear.scatter [tilespmem:s17], [sflag:$0x4], $0x4000, $0x38;
	[tilespmem:$0x10080] =	vst v63  }
0x9b: {  	s21 =	sadd.s32 $0x3, s21  }
0x9c: {  	s22 =	sshll.u32 s21, $0x1  }
.Ltmp8:
0x9d: {  	s21 =	sshll.u32 s21, $0xB;
	s22 =	sand.u32 $0xF8, s22;
	(pc) =	sbr.rel .LBB2_2-.Ltmp8, $4  }
0x9e: {  	s21 =	sand.u32 $0x1800, s21;
	s22 =	sadd.s32 s5, s22  }
0x9f: {  	s21 =	sadd.s32 s0, s21;
	s22 =	sshll.u32 s22, $0xA  }
0xa0: {  	s20 =	sadd.s32 $0x1, s20;
	s21 =	sadd.s32 s22, s21  }
0xa1: {  	[tilespmem:s12], [sflag:$0x2] =	stream.linear.gather [hbm4b:s21+s4], $0x4000, $0x38;
	[tilespmem:$0x10080] =	vst v63  }
.LBB2_13:
0xa2: {  	_ =	sfence.sel $0x180000  }
0xa3: {  	[bflag:$0x0] =	sbarrier.arrive $0xFFFF  }
0xa4: {  	p0 =	sne.s32 s3, $0x0;
	_ =	strace $0x90000047  }
0xa5: {  	s0 =	sadd.s32 @!p0 $0x100000, s1;
	[bflag:$0x2] =	sbarrier.arrive $0xFFFF  }
0xa6: {  	[sflag:s0] =	ssyncadd.tile.s32 @!p0 $0x1;
	_ =	shalt  }
.Lfunc_end2:
_tile_overlayer_lowered:
.L_overlay_start_2:
0xa7: {  	(tag) =	ssettag $0x2  }
0xa8: {  	s0 =	rddreg [dreg:$0x0];
	s2 =	stileid.u32  }
0xa9: {  	s1 =	rddreg [dreg:$0x1];
	p0 =	sne.s32 s2, $0x0  }
0xaa: {  	s3 =	rddreg [dreg:$0x2];
	[bflag:$0x3] =	sbarrier.arrive $0xFFFF;
	s2 =	simm.s32 @!p0 $0x1C05  }
0xab: {  	[timem:s3], [sflag:s2] =	dma.local @!p0 [hbm:s0], s1  }
0xac: {  	s0 =	simm.s32 @!p0 $0x5  }
0xad: {  	_ =	swait.ge @!p0 [sflag:s0], s1  }
0xae: {  	s1 =	ssub.s32 @!p0 $0x0, s1;
	[sflag:s0] =	ssyncset.done @!p0 $0x0  }
0xaf: {  	[sflag:s0] =	ssyncadd.s32 @!p0 s1  }
0xb0: {  	[bflag:$0x3] =	sbarrier.arrive $0xFFFF  }
0xb1: {  	_ =	shalt  }

</sc_bundles>
